<compile_context>
chip_gen: v7x
topology: tpu7x:2x2x1
jax: 0.10.2.dev20260603
libtpu: 0.0.44.dev20260713+nightly
codegen_flags: <defaults>
</compile_context>

<pallas_src>
import functools
import math

import jax
import jax.numpy as jnp
import numpy as np
from jax import lax
from jax.experimental import pallas as pl
from jax.experimental.pallas import tpu as pltpu
from jax.experimental.pallas import tpu_sc as plsc

SEQ = 8192
HIDDEN = 768
HEADS = 12
HEAD_DIM = 64
BLOCK = 64
NRAND = 3

NW = 32
A_PAD = 512
_KV_ROWS = 2048


def _selected_indices(seq_len, block_size, num_random_blocks):
    g = np.concatenate(
        [np.arange(block_size), np.arange(seq_len - block_size, seq_len)])
    rng = np.random.RandomState(0)
    num_blocks = math.ceil(seq_len / block_size)
    rnd = []
    for i in range(num_blocks):
        bs = i * block_size
        be = min(bs + block_size, seq_len)
        cur = be - bs
        if cur == 0:
            continue
        nr = min(num_random_blocks, cur)
        rnd.append(rng.permutation(cur)[:nr] + bs)
    if rnd:
        rnd = np.concatenate(rnd)
    else:
        rnd = np.array([], dtype=np.int64)
    return np.unique(np.concatenate([g, rnd]).astype(np.int64))


_IDX = _selected_indices(SEQ, BLOCK, NRAND).astype(np.int32)
A = int(_IDX.shape[0])

_IDX_PAD = np.zeros((A_PAD,), dtype=np.int32)
_IDX_PAD[:A] = _IDX

_SMAT = np.zeros((SEQ, A_PAD), dtype=np.float32)
_SMAT[_IDX, np.arange(A)] = 1.0
_SMAT = _SMAT.astype(jnp.bfloat16)

_SC_MESH = plsc.VectorSubcoreMesh(core_axis_name="c", subcore_axis_name="s")


def _sc_wid():
    return lax.axis_index("s") * 2 + lax.axis_index("c")


@functools.partial(
    pl.kernel,
    mesh=_SC_MESH,
    out_type=jax.ShapeDtypeStruct((A_PAD, HIDDEN), jnp.float32),
    scratch_types=[
        pltpu.VMEM((A_PAD // NW,), jnp.int32),
        pltpu.VMEM((A_PAD // NW, HIDDEN), jnp.float32),
        pltpu.SemaphoreType.DMA,
    ],
)
def _sc_gather(h_hbm, idx_hbm, out_hbm, idx_v, rows_v, sem):
    n = A_PAD // NW
    base = _sc_wid() * n
    pltpu.sync_copy(idx_hbm.at[pl.ds(base, n)], idx_v)
    pltpu.async_copy(h_hbm.at[idx_v], rows_v, sem).wait()
    pltpu.sync_copy(rows_v, out_hbm.at[pl.ds(base, n)])


def _scat_body(ctx_ref, wo_ref, s_ref, bo_ref, out_ref, cm_ref, tab_ref):
    @pl.when(pl.program_id(0) == 0)
    def _():
        for h in range(HEADS):
            cm_ref[:, pl.ds(h * HEAD_DIM, HEAD_DIM)] = ctx_ref[h]
        val = lax.dot_general(
            cm_ref[...], wo_ref[...], (((1,), (1,)), ((), ())),
            preferred_element_type=jnp.float32)
        row = lax.broadcasted_iota(jnp.int32, (A_PAD, HIDDEN), 0)
        tab_ref[...] = jnp.where(row < A, val, 0.0).astype(jnp.bfloat16)

    out_ref[...] = lax.dot_general(
        s_ref[...], tab_ref[...], (((1,), (0,)), ((), ())),
        preferred_element_type=jnp.float32) + bo_ref[...]


_scat_call = pl.pallas_call(
    _scat_body,
    grid=(SEQ // _KV_ROWS,),
    in_specs=[
        pl.BlockSpec((HEADS, A_PAD, HEAD_DIM), lambda i: (0, 0, 0)),
        pl.BlockSpec((HIDDEN, HIDDEN), lambda i: (0, 0)),
        pl.BlockSpec((_KV_ROWS, A_PAD), lambda i: (i, 0)),
        pl.BlockSpec((1, HIDDEN), lambda i: (0, 0)),
    ],
    out_specs=pl.BlockSpec((_KV_ROWS, HIDDEN), lambda i: (i, 0)),
    out_shape=jax.ShapeDtypeStruct((SEQ, HIDDEN), jnp.float32),
    scratch_shapes=[
        pltpu.VMEM((A_PAD, HIDDEN), jnp.float32),
        pltpu.VMEM((A_PAD, HIDDEN), jnp.bfloat16),
    ],
)


def _kv_body(h_ref, wk_ref, bk_ref, wv_ref, bv_ref, k_ref, v_ref):
    h = h_ref[...].astype(jnp.bfloat16)
    kk = lax.dot_general(
        wk_ref[...].astype(jnp.bfloat16), h, (((1,), (1,)), ((), ())),
        preferred_element_type=jnp.float32) + bk_ref[...]
    k_ref[...] = kk.astype(jnp.bfloat16).reshape(HEADS, HEAD_DIM, _KV_ROWS)
    vv = lax.dot_general(
        wv_ref[...].astype(jnp.bfloat16), h, (((1,), (1,)), ((), ())),
        preferred_element_type=jnp.float32) + bv_ref[...]
    v_ref[...] = vv.astype(jnp.bfloat16).reshape(HEADS, HEAD_DIM, _KV_ROWS)


_kv_call = pl.pallas_call(
    _kv_body,
    grid=(SEQ // _KV_ROWS,),
    in_specs=[
        pl.BlockSpec((_KV_ROWS, HIDDEN), lambda i: (i, 0)),
        pl.BlockSpec((HIDDEN, HIDDEN), lambda i: (0, 0)),
        pl.BlockSpec((HIDDEN, 1), lambda i: (0, 0)),
        pl.BlockSpec((HIDDEN, HIDDEN), lambda i: (0, 0)),
        pl.BlockSpec((HIDDEN, 1), lambda i: (0, 0)),
    ],
    out_specs=[
        pl.BlockSpec((HEADS, HEAD_DIM, _KV_ROWS), lambda i: (0, 0, i)),
        pl.BlockSpec((HEADS, HEAD_DIM, _KV_ROWS), lambda i: (0, 0, i)),
    ],
    out_shape=[
        jax.ShapeDtypeStruct((HEADS, HEAD_DIM, SEQ), jnp.bfloat16),
        jax.ShapeDtypeStruct((HEADS, HEAD_DIM, SEQ), jnp.bfloat16),
    ],
)


def _attn_body(sel_ref, wq_ref, bq_ref, k_ref, v_ref, probs_ref, ctx_ref):
    sq = (lax.dot_general(
        sel_ref[...], wq_ref[...], (((1,), (1,)), ((), ())),
        preferred_element_type=jnp.float32) + bq_ref[0]) * (
            1.4426950408889634 / math.sqrt(HEAD_DIM))
    e = jnp.exp2(lax.dot_general(
        sq.astype(jnp.bfloat16), k_ref[0], (((1,), (0,)), ((), ())),
        preferred_element_type=jnp.float32))
    r = 1.0 / jnp.sum(e, axis=1, keepdims=True)
    p = e * r
    probs_ref[...] = p.reshape(A_PAD * SEQ // 128, 128)[:A * SEQ // 128]
    ctx_ref[0] = lax.dot_general(
        e.astype(jnp.bfloat16), v_ref[0], (((1,), (1,)), ((), ())),
        preferred_element_type=jnp.float32) * r


_attn_call = pl.pallas_call(
    _attn_body,
    grid=(HEADS,),
    in_specs=[
        pl.BlockSpec((A_PAD, HIDDEN), lambda h: (0, 0)),
        pl.BlockSpec((HEAD_DIM, HIDDEN), lambda h: (h, 0)),
        pl.BlockSpec((1, 1, HEAD_DIM), lambda h: (h, 0, 0)),
        pl.BlockSpec((1, HEAD_DIM, SEQ), lambda h: (h, 0, 0)),
        pl.BlockSpec((1, HEAD_DIM, SEQ), lambda h: (h, 0, 0)),
    ],
    out_specs=[
        pl.BlockSpec((A * SEQ // 128, 128), lambda h: (h, 0)),
        pl.BlockSpec((1, A_PAD, HEAD_DIM), lambda h: (h, 0, 0)),
    ],
    out_shape=[
        jax.ShapeDtypeStruct((HEADS * A * SEQ // 128, 128), jnp.float32),
        jax.ShapeDtypeStruct((HEADS, A_PAD, HEAD_DIM), jnp.float32),
    ],
    compiler_params=pltpu.CompilerParams(
        vmem_limit_bytes=100 * 1024 * 1024),
)


def kernel(hidden_states, Wq, bq, Wk, bk, Wv, bv, Wo, bo):
    b, s, hsz = hidden_states.shape
    h2 = hidden_states.reshape(s, hsz)
    bq2 = bq.reshape(HEADS, 1, HEAD_DIM)
    bk2 = bk.reshape(hsz, 1)
    bv2 = bv.reshape(hsz, 1)
    bo2 = bo.reshape(1, hsz)

    idx_pad = jnp.asarray(_IDX_PAD)
    smat = jnp.asarray(_SMAT)

    sel_pad = _sc_gather(h2, idx_pad)

    k_full, v_full = _kv_call(h2, Wk, bk2, Wv, bv2)

    probs, ctx = _attn_call(sel_pad, Wq, bq2, k_full, v_full)

    out_full = _scat_call(ctx, Wo, smat, bo2)

    return (out_full.reshape(b, s, hsz),
            probs.reshape(b, HEADS, A, SEQ))

# --- scband reference (transcript-rebuilt; emitter-appended) ---
"""Pipeline reference for scband-sparse-self-attention-1082331758767 (READ-ONLY COPY).

The authoritative reference and input builder live on the scoring server;
editing this copy changes nothing except your own understanding.
"""

import jax, jax.numpy as jnp
import numpy as np
import math

BATCH = 1
SEQ = 8192
HIDDEN = 768
HEADS = 12
HEAD_DIM = HIDDEN // HEADS
BLOCK = 64
NRAND = 3


def _attn_indices(seq_len, block_size, num_random_blocks):
    # global tokens: first and last block (seq_len >= 2*block_size)
    g = np.concatenate([np.arange(block_size), np.arange(seq_len - block_size, seq_len)])
    rng = np.random.RandomState(0)
    num_blocks = math.ceil(seq_len / block_size)
    rnd = []
    for i in range(num_blocks):
        bs = i * block_size
        be = min(bs + block_size, seq_len)
        cur = be - bs
        if cur == 0:
            continue
        nr = min(num_random_blocks, cur)
        rnd.append(rng.permutation(cur)[:nr] + bs)
    if rnd:
        rnd = np.concatenate(rnd)
    else:
        rnd = np.array([], dtype=np.int64)
    return np.unique(np.concatenate([g, rnd]).astype(np.int64))


def setup_inputs(seed: int = 0) -> dict:
    key = jax.random.key(seed)
    ks = jax.random.split(key, 9)
    scale = 1.0 / math.sqrt(HIDDEN)
    inp = {
        'hidden_states': jax.random.normal(ks[0], (BATCH, SEQ, HIDDEN), dtype=jnp.float32),
        'Wq': jax.random.normal(ks[1], (HIDDEN, HIDDEN), dtype=jnp.float32) * scale,
        'bq': jnp.zeros((HIDDEN,), dtype=jnp.float32),
        'Wk': jax.random.normal(ks[2], (HIDDEN, HIDDEN), dtype=jnp.float32) * scale,
        'bk': jnp.zeros((HIDDEN,), dtype=jnp.float32),
        'Wv': jax.random.normal(ks[3], (HIDDEN, HIDDEN), dtype=jnp.float32) * scale,
        'bv': jnp.zeros((HIDDEN,), dtype=jnp.float32),
        'Wo': jax.random.normal(ks[4], (HIDDEN, HIDDEN), dtype=jnp.float32) * scale,
        'bo': jnp.zeros((HIDDEN,), dtype=jnp.float32),
    }
    return inp


def reference(hidden_states, Wq, bq, Wk, bk, Wv, bv, Wo, bo):
    b, s, hsz = hidden_states.shape

    def split_heads(x):
        return x.reshape(b, s, HEADS, HEAD_DIM).transpose(0, 2, 1, 3)

    q = split_heads(hidden_states @ Wq.T + bq)
    k = split_heads(hidden_states @ Wk.T + bk)
    v = split_heads(hidden_states @ Wv.T + bv)

    idx = jnp.asarray(_attn_indices(s, BLOCK, NRAND))

    # gather selected query rows (SparseCore-friendly gather)
    sq = jnp.take(q, idx, axis=2)  # [b, h, A, hd]
    scores = jnp.einsum('bhad,bhsd->bhas', sq, k) / math.sqrt(HEAD_DIM)
    probs = jax.nn.softmax(scores, axis=-1)
    ctx = jnp.einsum('bhas,bhsd->bhad', probs, v)  # [b, h, A, hd]

    # scatter-overwrite back into the full sequence
    full = jnp.zeros_like(q).at[:, :, idx].set(ctx)  # [b, h, s, hd]

    ctx2 = full.transpose(0, 2, 1, 3).reshape(b, s, hsz)
    out = ctx2 @ Wo.T + bo
    return (out, probs)

if __name__ == "__main__":
    import jax
    _d = setup_inputs()
    print(jax.jit(kernel)(*tuple(_d.values())))

</pallas_src>

<mosaic_0001>
#map = affine_map<(d0, d1) -> (0, 0)>
#map1 = affine_map<(d0, d1) -> (0)>
module attributes {stable_mosaic.version = 14 : i64} {
  func.func @_sc_gather(%arg0: i32, %arg1: i32, %arg2: memref<8192x768xf32, #tpu.memory_space<hbm>>, %arg3: memref<512xi32, #tpu.memory_space<hbm>>, %arg4: memref<512x768xf32, #tpu.memory_space<hbm>>, %arg5: memref<16xi32, #tpu.memory_space<vmem>>, %arg6: memref<16x768xf32, #tpu.memory_space<vmem>>, %arg7: memref<!tpu.dma_semaphore, #tpu.memory_space<semaphore_mem>>) attributes {dimension_semantics = [#tpu.dimension_semantics<core_parallel>, #tpu.dimension_semantics<subcore_parallel>], iteration_bounds = array<i64: 2, 16>, scalar_prefetch = 0 : i64, scratch_operands = 3 : i64, tpu.core_type = #tpu.core_type<sc_vector_subcore>, window_params = [{transform_indices = #map}, {transform_indices = #map1}, {transform_indices = #map}]} {
    %mul3A = arith.constant 2 : i32
    %mul3A_0 = arith.muli %arg1, %mul3A : i32
    %add3A = arith.addi %mul3A_0, %arg0 : i32
    %mul3A_1 = arith.constant 16 : i32
    %mul3A_2 = arith.muli %add3A, %mul3A_1 : i32
    "tpu.region"() ({
      %run_scoped3A = tpu.sem_alloc : memref<!tpu.dma_semaphore, #tpu.memory_space<semaphore_mem>>
      %dma_start3A_7 = tpu.memref_slice %arg3[%mul3A_2] : memref<512xi32, #tpu.memory_space<hbm>> -> memref<16xi32, #tpu.memory_space<hbm>>
      %dma_start3A_8 = tpu.memref_slice %arg3[%mul3A_2] : memref<512xi32, #tpu.memory_space<hbm>> -> memref<16xi32, #tpu.memory_space<hbm>>
      tpu.enqueue_dma source(%dma_start3A_8 : memref<16xi32, #tpu.memory_space<hbm>>) target(%arg5 : memref<16xi32, #tpu.memory_space<vmem>>) target_semaphore(%run_scoped3A : memref<!tpu.dma_semaphore, #tpu.memory_space<semaphore_mem>>)
      %dma_wait3A_9 = tpu.memref_slice %arg3[%mul3A_2] : memref<512xi32, #tpu.memory_space<hbm>> -> memref<16xi32, #tpu.memory_space<hbm>>
      %dma_wait3A_10 = tpu.memref_slice %arg3[%mul3A_2] : memref<512xi32, #tpu.memory_space<hbm>> -> memref<16xi32, #tpu.memory_space<hbm>>
      tpu.wait_dma2 semaphore(%run_scoped3A : memref<!tpu.dma_semaphore, #tpu.memory_space<semaphore_mem>>) src(%dma_wait3A_10 : memref<16xi32, #tpu.memory_space<hbm>>) dst(%arg5 : memref<16xi32, #tpu.memory_space<vmem>>)
      tpu.yield
    }) : () -> ()
    %dma_start3A = arith.constant 0 : i32
    %dma_start3A_3 = arith.constant 0 : i32
    %dma_start3A_4 = tpu.memref_slice %arg2[%dma_start3A, %dma_start3A_3] : memref<8192x768xf32, #tpu.memory_space<hbm>> -> memref<8192x768xf32, #tpu.memory_space<hbm>>
    tpu.enqueue_indirect_dma source(%dma_start3A_4 : memref<8192x768xf32, #tpu.memory_space<hbm>>) target(%arg6 : memref<16x768xf32, #tpu.memory_space<vmem>>) offsets(%arg5 : memref<16xi32, #tpu.memory_space<vmem>>) semaphore(%arg7 : memref<!tpu.dma_semaphore, #tpu.memory_space<semaphore_mem>>)
    %dma_wait3A = arith.constant 0 : i32
    %dma_wait3A_5 = arith.constant 0 : i32
    %dma_wait3A_6 = tpu.memref_slice %arg2[%dma_wait3A, %dma_wait3A_5] : memref<8192x768xf32, #tpu.memory_space<hbm>> -> memref<8192x768xf32, #tpu.memory_space<hbm>>
    tpu.wait_indirect_dma semaphore(%arg7 : memref<!tpu.dma_semaphore, #tpu.memory_space<semaphore_mem>>) src(%dma_wait3A_6 : memref<8192x768xf32, #tpu.memory_space<hbm>>) dst(%arg6 : memref<16x768xf32, #tpu.memory_space<vmem>>)
    "tpu.region"() ({
      %run_scoped3A = tpu.sem_alloc : memref<!tpu.dma_semaphore, #tpu.memory_space<semaphore_mem>>
      %dma_start3A_7 = arith.constant 0 : i32
      %dma_start3A_8 = tpu.memref_slice %arg4[%mul3A_2, %dma_start3A_7] : memref<512x768xf32, #tpu.memory_space<hbm>> -> memref<16x768xf32, #tpu.memory_space<hbm>>
      %dma_start3A_9 = arith.constant 0 : i32
      %dma_start3A_10 = tpu.memref_slice %arg4[%mul3A_2, %dma_start3A_9] : memref<512x768xf32, #tpu.memory_space<hbm>> -> memref<16x768xf32, #tpu.memory_space<hbm>>
      tpu.enqueue_dma source(%arg6 : memref<16x768xf32, #tpu.memory_space<vmem>>) target(%dma_start3A_10 : memref<16x768xf32, #tpu.memory_space<hbm>>) target_semaphore(%run_scoped3A : memref<!tpu.dma_semaphore, #tpu.memory_space<semaphore_mem>>)
      %dma_wait3A_11 = arith.constant 0 : i32
      %dma_wait3A_12 = tpu.memref_slice %arg4[%mul3A_2, %dma_wait3A_11] : memref<512x768xf32, #tpu.memory_space<hbm>> -> memref<16x768xf32, #tpu.memory_space<hbm>>
      %dma_wait3A_13 = arith.constant 0 : i32
      %dma_wait3A_14 = tpu.memref_slice %arg4[%mul3A_2, %dma_wait3A_13] : memref<512x768xf32, #tpu.memory_space<hbm>> -> memref<16x768xf32, #tpu.memory_space<hbm>>
      tpu.wait_dma2 semaphore(%run_scoped3A : memref<!tpu.dma_semaphore, #tpu.memory_space<semaphore_mem>>) src(%arg6 : memref<16x768xf32, #tpu.memory_space<vmem>>) dst(%dma_wait3A_14 : memref<16x768xf32, #tpu.memory_space<hbm>>)
      tpu.yield
    }) : () -> ()
    return
  }
}

module attributes {stable_mosaic.version = 14 : i64} {
  func.func @_attn_body(%arg0: i32, %arg1: memref<512x768xf32, #tpu.memory_space<vmem>>, %arg2: memref<64x768xf32, #tpu.memory_space<vmem>>, %arg3: memref<1x1x64xf32, #tpu.memory_space<vmem>>, %arg4: memref<1x64x8192xbf16, #tpu.memory_space<vmem>>, %arg5: memref<1x64x8192xbf16, #tpu.memory_space<vmem>>, %arg6: memref<32384x128xf32, #tpu.memory_space<vmem>>, %arg7: memref<1x512x64xf32, #tpu.memory_space<vmem>>) attributes {dimension_semantics = [#tpu.dimension_semantics<arbitrary>], iteration_bounds = array<i64: 12>, scalar_prefetch = 0 : i64, scratch_operands = 0 : i64, tpu.core_type = #tpu.core_type<tc>, window_params = [{pipeline_mode = #tpu.pipeline_mode<synchronous>, transform_indices = @transform_0, window_bounds = array<i64: 512, 768>}, {transform_indices = @transform_1, window_bounds = array<i64: 64, 768>}, {transform_indices = @transform_2, window_bounds = array<i64: 1, 1, 64>}, {transform_indices = @transform_3, window_bounds = array<i64: 1, 64, 8192>}, {transform_indices = @transform_4, window_bounds = array<i64: 1, 64, 8192>}, {transform_indices = @transform_5, window_bounds = array<i64: 32384, 128>}, {transform_indices = @transform_6, window_bounds = array<i64: 1, 512, 64>}]} {
    %get3A = arith.constant 0 : index
    %get3A_0 = arith.constant 0 : index
    %get3A_1 = vector.load %arg1[%get3A, %get3A_0] : memref<512x768xf32, #tpu.memory_space<vmem>>, vector<512x768xf32>
    %get3A_2 = arith.constant 0 : index
    %get3A_3 = arith.constant 0 : index
    %get3A_4 = vector.load %arg2[%get3A_2, %get3A_3] : memref<64x768xf32, #tpu.memory_space<vmem>>, vector<64x768xf32>
    %dot_general3A = arith.constant dense<0.000000e+00> : vector<512x64xf32>
    %dot_general3A_5 = tpu.matmul %get3A_1, %get3A_4, %dot_general3A {dimension_numbers = #tpu.dot_dimension_numbers<[1], [1], [0], [0], [0, 0, 1, 0], [], []>, transpose_lhs_hint = false} : vector<512x768xf32>, vector<64x768xf32>, vector<512x64xf32> -> vector<512x64xf32>
    %get3A_6 = arith.constant 0 : index
    %get3A_7 = arith.constant 0 : index
    %get3A_8 = arith.constant 0 : index
    %get3A_9 = vector.load %arg3[%get3A_6, %get3A_7, %get3A_8] : memref<1x1x64xf32, #tpu.memory_space<vmem>>, vector<1x1x64xf32>
    %get3A_10 = vector.shape_cast %get3A_9 : vector<1x1x64xf32> to vector<1x64xf32>
    %add3A = vector.broadcast %get3A_10 : vector<1x64xf32> to vector<512x64xf32>
    %add3A_11 = arith.addf %dot_general3A_5, %add3A : vector<512x64xf32>
    %mul3A = arith.constant 0.180336878 : f32
    %mul3A_12 = vector.broadcast %mul3A : f32 to vector<512x64xf32>
    %mul3A_13 = arith.mulf %add3A_11, %mul3A_12 : vector<512x64xf32>
    %convert_element_type3A = arith.truncf %mul3A_13 : vector<512x64xf32> to vector<512x64xbf16>
    %get3A_14 = arith.constant 0 : index
    %get3A_15 = arith.constant 0 : index
    %get3A_16 = arith.constant 0 : index
    %get3A_17 = vector.load %arg4[%get3A_14, %get3A_15, %get3A_16] : memref<1x64x8192xbf16, #tpu.memory_space<vmem>>, vector<1x64x8192xbf16>
    %get3A_18 = vector.shape_cast %get3A_17 : vector<1x64x8192xbf16> to vector<64x8192xbf16>
    %dot_general3A_19 = arith.constant dense<0.000000e+00> : vector<512x8192xf32>
    %dot_general3A_20 = tpu.matmul %convert_element_type3A, %get3A_18, %dot_general3A_19 {dimension_numbers = #tpu.dot_dimension_numbers<[1], [0], [0], [1], [0, 0, 1, 1], [], []>, transpose_lhs_hint = false} : vector<512x64xbf16>, vector<64x8192xbf16>, vector<512x8192xf32> -> vector<512x8192xf32>
    %exp23A = math.exp2 %dot_general3A_20 : vector<512x8192xf32>
    %reduce_sum3A = arith.constant dense<0.000000e+00> : vector<512xf32>
    %reduce_sum3A_21 = vector.multi_reduction <add>, %exp23A, %reduce_sum3A [1] : vector<512x8192xf32> to vector<512xf32>
    %broadcast_in_dim3A = vector.shape_cast %reduce_sum3A_21 : vector<512xf32> to vector<512x1xf32>
    %div3A = arith.constant 1.000000e+00 : f32
    %div3A_22 = vector.broadcast %div3A : f32 to vector<512x1xf32>
    %div3A_23 = arith.divf %div3A_22, %broadcast_in_dim3A : vector<512x1xf32>
    %mul3A_24 = vector.broadcast %div3A_23 : vector<512x1xf32> to vector<512x8192xf32>
    %mul3A_25 = arith.mulf %exp23A, %mul3A_24 : vector<512x8192xf32>
    %reshape3A = vector.shape_cast %mul3A_25 : vector<512x8192xf32> to vector<32768x128xf32>
    %slice3A = vector.extract_strided_slice %reshape3A {offsets = [0, 0], sizes = [32384, 128], strides = [1, 1]} : vector<32768x128xf32> to vector<32384x128xf32>
    %swap3A = arith.constant 0 : index
    %swap3A_26 = arith.constant 0 : index
    %swap3A_27 = vector.load %arg6[%swap3A, %swap3A_26] : memref<32384x128xf32, #tpu.memory_space<vmem>>, vector<32384x128xf32>
    tpu.vector_store %arg6[%swap3A, %swap3A_26], %slice3A {strides = array<i32>} : memref<32384x128xf32, #tpu.memory_space<vmem>>, vector<32384x128xf32>,
    %convert_element_type3A_28 = arith.truncf %exp23A : vector<512x8192xf32> to vector<512x8192xbf16>
    %get3A_29 = arith.constant 0 : index
    %get3A_30 = arith.constant 0 : index
    %get3A_31 = arith.constant 0 : index
    %get3A_32 = vector.load %arg5[%get3A_29, %get3A_30, %get3A_31] : memref<1x64x8192xbf16, #tpu.memory_space<vmem>>, vector<1x64x8192xbf16>
    %get3A_33 = vector.shape_cast %get3A_32 : vector<1x64x8192xbf16> to vector<64x8192xbf16>
    %dot_general3A_34 = arith.constant dense<0.000000e+00> : vector<512x64xf32>
    %dot_general3A_35 = tpu.matmul %convert_element_type3A_28, %get3A_33, %dot_general3A_34 {dimension_numbers = #tpu.dot_dimension_numbers<[1], [1], [0], [0], [0, 0, 1, 0], [], []>, transpose_lhs_hint = false} : vector<512x8192xbf16>, vector<64x8192xbf16>, vector<512x64xf32> -> vector<512x64xf32>
    %mul3A_36 = vector.broadcast %div3A_23 : vector<512x1xf32> to vector<512x64xf32>
    %mul3A_37 = arith.mulf %dot_general3A_35, %mul3A_36 : vector<512x64xf32>
    %swap3A_38 = arith.constant 0 : index
    %swap3A_39 = arith.constant 0 : index
    %swap3A_40 = arith.constant 0 : index
    %swap3A_41 = vector.load %arg7[%swap3A_38, %swap3A_39, %swap3A_40] : memref<1x512x64xf32, #tpu.memory_space<vmem>>, vector<1x512x64xf32>
    %swap3A_42 = vector.shape_cast %swap3A_41 : vector<1x512x64xf32> to vector<512x64xf32>
    %swap3A_43 = vector.shape_cast %mul3A_37 : vector<512x64xf32> to vector<1x512x64xf32>
    tpu.vector_store %arg7[%swap3A_38, %swap3A_39, %swap3A_40], %swap3A_43 {strides = array<i32>} : memref<1x512x64xf32, #tpu.memory_space<vmem>>, vector<1x512x64xf32>,
    return
  }
  func.func @transform_0(%arg0: i32) -> (i32, i32) {
    %c0_i32 = arith.constant 0 : i32
    %c0_i32_0 = arith.constant 0 : i32
    %c0_i32_1 = arith.constant 0 : i32
    return %c0_i32, %c0_i32_0 : i32, i32
  }
  func.func @transform_1(%arg0: i32) -> (i32, i32) {
    %c0_i32 = arith.constant 0 : i32
    %c0_i32_0 = arith.constant 0 : i32
    return %arg0, %c0_i32 : i32, i32
  }
  func.func @transform_2(%arg0: i32) -> (i32, i32, i32) {
    %c0_i32 = arith.constant 0 : i32
    %c0_i32_0 = arith.constant 0 : i32
    %c0_i32_1 = arith.constant 0 : i32
    return %arg0, %c0_i32, %c0_i32_0 : i32, i32, i32
  }
  func.func @transform_3(%arg0: i32) -> (i32, i32, i32) {
    %c0_i32 = arith.constant 0 : i32
    %c0_i32_0 = arith.constant 0 : i32
    %c0_i32_1 = arith.constant 0 : i32
    return %arg0, %c0_i32, %c0_i32_0 : i32, i32, i32
  }
  func.func @transform_4(%arg0: i32) -> (i32, i32, i32) {
    %c0_i32 = arith.constant 0 : i32
    %c0_i32_0 = arith.constant 0 : i32
    %c0_i32_1 = arith.constant 0 : i32
    return %arg0, %c0_i32, %c0_i32_0 : i32, i32, i32
  }
  func.func @transform_5(%arg0: i32) -> (i32, i32) {
    %c0_i32 = arith.constant 0 : i32
    %c0_i32_0 = arith.constant 0 : i32
    return %arg0, %c0_i32 : i32, i32
  }
  func.func @transform_6(%arg0: i32) -> (i32, i32, i32) {
    %c0_i32 = arith.constant 0 : i32
    %c0_i32_0 = arith.constant 0 : i32
    %c0_i32_1 = arith.constant 0 : i32
    return %arg0, %c0_i32, %c0_i32_0 : i32, i32, i32
  }
}

module attributes {stable_mosaic.version = 14 : i64} {
  func.func @_kv_body(%arg0: i32, %arg1: memref<2048x768xf32, #tpu.memory_space<vmem>>, %arg2: memref<768x768xf32, #tpu.memory_space<vmem>>, %arg3: memref<768x1xf32, #tpu.memory_space<vmem>>, %arg4: memref<768x768xf32, #tpu.memory_space<vmem>>, %arg5: memref<768x1xf32, #tpu.memory_space<vmem>>, %arg6: memref<12x64x2048xbf16, #tpu.memory_space<vmem>>, %arg7: memref<12x64x2048xbf16, #tpu.memory_space<vmem>>) attributes {dimension_semantics = [#tpu.dimension_semantics<arbitrary>], iteration_bounds = array<i64: 4>, scalar_prefetch = 0 : i64, scratch_operands = 0 : i64, tpu.core_type = #tpu.core_type<tc>, window_params = [{transform_indices = @transform_0, window_bounds = array<i64: 2048, 768>}, {pipeline_mode = #tpu.pipeline_mode<synchronous>, transform_indices = @transform_1, window_bounds = array<i64: 768, 768>}, {pipeline_mode = #tpu.pipeline_mode<synchronous>, transform_indices = @transform_2, window_bounds = array<i64: 768, 1>}, {pipeline_mode = #tpu.pipeline_mode<synchronous>, transform_indices = @transform_3, window_bounds = array<i64: 768, 768>}, {pipeline_mode = #tpu.pipeline_mode<synchronous>, transform_indices = @transform_4, window_bounds = array<i64: 768, 1>}, {transform_indices = @transform_5, window_bounds = array<i64: 12, 64, 2048>}, {transform_indices = @transform_6, window_bounds = array<i64: 12, 64, 2048>}]} {
    %get3A = arith.constant 0 : index
    %get3A_0 = arith.constant 0 : index
    %get3A_1 = vector.load %arg1[%get3A, %get3A_0] : memref<2048x768xf32, #tpu.memory_space<vmem>>, vector<2048x768xf32>
    %convert_element_type3A = arith.truncf %get3A_1 : vector<2048x768xf32> to vector<2048x768xbf16>
    %get3A_2 = arith.constant 0 : index
    %get3A_3 = arith.constant 0 : index
    %get3A_4 = vector.load %arg2[%get3A_2, %get3A_3] : memref<768x768xf32, #tpu.memory_space<vmem>>, vector<768x768xf32>
    %convert_element_type3A_5 = arith.truncf %get3A_4 : vector<768x768xf32> to vector<768x768xbf16>
    %dot_general3A = arith.constant dense<0.000000e+00> : vector<768x2048xf32>
    %dot_general3A_6 = tpu.matmul %convert_element_type3A_5, %convert_element_type3A, %dot_general3A {dimension_numbers = #tpu.dot_dimension_numbers<[1], [1], [0], [0], [0, 0, 1, 0], [], []>, transpose_lhs_hint = false} : vector<768x768xbf16>, vector<2048x768xbf16>, vector<768x2048xf32> -> vector<768x2048xf32>
    %get3A_7 = arith.constant 0 : index
    %get3A_8 = arith.constant 0 : index
    %get3A_9 = vector.load %arg3[%get3A_7, %get3A_8] : memref<768x1xf32, #tpu.memory_space<vmem>>, vector<768x1xf32>
    %add3A = vector.broadcast %get3A_9 : vector<768x1xf32> to vector<768x2048xf32>
    %add3A_10 = arith.addf %dot_general3A_6, %add3A : vector<768x2048xf32>
    %convert_element_type3A_11 = arith.truncf %add3A_10 : vector<768x2048xf32> to vector<768x2048xbf16>
    %reshape3A = vector.shape_cast %convert_element_type3A_11 : vector<768x2048xbf16> to vector<12x64x2048xbf16>
    %swap3A = arith.constant 0 : index
    %swap3A_12 = arith.constant 0 : index
    %swap3A_13 = arith.constant 0 : index
    %swap3A_14 = vector.load %arg6[%swap3A, %swap3A_12, %swap3A_13] : memref<12x64x2048xbf16, #tpu.memory_space<vmem>>, vector<12x64x2048xbf16>
    tpu.vector_store %arg6[%swap3A, %swap3A_12, %swap3A_13], %reshape3A {strides = array<i32>} : memref<12x64x2048xbf16, #tpu.memory_space<vmem>>, vector<12x64x2048xbf16>,
    %get3A_15 = arith.constant 0 : index
    %get3A_16 = arith.constant 0 : index
    %get3A_17 = vector.load %arg4[%get3A_15, %get3A_16] : memref<768x768xf32, #tpu.memory_space<vmem>>, vector<768x768xf32>
    %convert_element_type3A_18 = arith.truncf %get3A_17 : vector<768x768xf32> to vector<768x768xbf16>
    %dot_general3A_19 = arith.constant dense<0.000000e+00> : vector<768x2048xf32>
    %dot_general3A_20 = tpu.matmul %convert_element_type3A_18, %convert_element_type3A, %dot_general3A_19 {dimension_numbers = #tpu.dot_dimension_numbers<[1], [1], [0], [0], [0, 0, 1, 0], [], []>, transpose_lhs_hint = false} : vector<768x768xbf16>, vector<2048x768xbf16>, vector<768x2048xf32> -> vector<768x2048xf32>
    %get3A_21 = arith.constant 0 : index
    %get3A_22 = arith.constant 0 : index
    %get3A_23 = vector.load %arg5[%get3A_21, %get3A_22] : memref<768x1xf32, #tpu.memory_space<vmem>>, vector<768x1xf32>
    %add3A_24 = vector.broadcast %get3A_23 : vector<768x1xf32> to vector<768x2048xf32>
    %add3A_25 = arith.addf %dot_general3A_20, %add3A_24 : vector<768x2048xf32>
    %convert_element_type3A_26 = arith.truncf %add3A_25 : vector<768x2048xf32> to vector<768x2048xbf16>
    %reshape3A_27 = vector.shape_cast %convert_element_type3A_26 : vector<768x2048xbf16> to vector<12x64x2048xbf16>
    %swap3A_28 = arith.constant 0 : index
    %swap3A_29 = arith.constant 0 : index
    %swap3A_30 = arith.constant 0 : index
    %swap3A_31 = vector.load %arg7[%swap3A_28, %swap3A_29, %swap3A_30] : memref<12x64x2048xbf16, #tpu.memory_space<vmem>>, vector<12x64x2048xbf16>
    tpu.vector_store %arg7[%swap3A_28, %swap3A_29, %swap3A_30], %reshape3A_27 {strides = array<i32>} : memref<12x64x2048xbf16, #tpu.memory_space<vmem>>, vector<12x64x2048xbf16>,
    return
  }
  func.func @transform_0(%arg0: i32) -> (i32, i32) {
    %c0_i32 = arith.constant 0 : i32
    %c0_i32_0 = arith.constant 0 : i32
    return %arg0, %c0_i32 : i32, i32
  }
  func.func @transform_1(%arg0: i32) -> (i32, i32) {
    %c0_i32 = arith.constant 0 : i32
    %c0_i32_0 = arith.constant 0 : i32
    %c0_i32_1 = arith.constant 0 : i32
    return %c0_i32, %c0_i32_0 : i32, i32
  }
  func.func @transform_2(%arg0: i32) -> (i32, i32) {
    %c0_i32 = arith.constant 0 : i32
    %c0_i32_0 = arith.constant 0 : i32
    %c0_i32_1 = arith.constant 0 : i32
    return %c0_i32, %c0_i32_0 : i32, i32
  }
  func.func @transform_3(%arg0: i32) -> (i32, i32) {
    %c0_i32 = arith.constant 0 : i32
    %c0_i32_0 = arith.constant 0 : i32
    %c0_i32_1 = arith.constant 0 : i32
    return %c0_i32, %c0_i32_0 : i32, i32
  }
  func.func @transform_4(%arg0: i32) -> (i32, i32) {
    %c0_i32 = arith.constant 0 : i32
    %c0_i32_0 = arith.constant 0 : i32
    %c0_i32_1 = arith.constant 0 : i32
    return %c0_i32, %c0_i32_0 : i32, i32
  }
  func.func @transform_5(%arg0: i32) -> (i32, i32, i32) {
    %c0_i32 = arith.constant 0 : i32
    %c0_i32_0 = arith.constant 0 : i32
    %c0_i32_1 = arith.constant 0 : i32
    return %c0_i32, %c0_i32_0, %arg0 : i32, i32, i32
  }
  func.func @transform_6(%arg0: i32) -> (i32, i32, i32) {
    %c0_i32 = arith.constant 0 : i32
    %c0_i32_0 = arith.constant 0 : i32
    %c0_i32_1 = arith.constant 0 : i32
    return %c0_i32, %c0_i32_0, %arg0 : i32, i32, i32
  }
}

module attributes {stable_mosaic.version = 14 : i64} {
  func.func @_scat_body(%arg0: i32, %arg1: memref<12x512x64xf32, #tpu.memory_space<vmem>>, %arg2: memref<768x768xf32, #tpu.memory_space<vmem>>, %arg3: memref<2048x512xbf16, #tpu.memory_space<vmem>>, %arg4: memref<1x768xf32, #tpu.memory_space<vmem>>, %arg5: memref<2048x768xf32, #tpu.memory_space<vmem>>, %arg6: memref<512x768xf32, #tpu.memory_space<vmem>>, %arg7: memref<512x768xbf16, #tpu.memory_space<vmem>>) attributes {dimension_semantics = [#tpu.dimension_semantics<arbitrary>], iteration_bounds = array<i64: 4>, scalar_prefetch = 0 : i64, scratch_operands = 2 : i64, tpu.core_type = #tpu.core_type<tc>, window_params = [{pipeline_mode = #tpu.pipeline_mode<synchronous>, transform_indices = @transform_0, window_bounds = array<i64: 12, 512, 64>}, {pipeline_mode = #tpu.pipeline_mode<synchronous>, transform_indices = @transform_1, window_bounds = array<i64: 768, 768>}, {transform_indices = @transform_2, window_bounds = array<i64: 2048, 512>}, {pipeline_mode = #tpu.pipeline_mode<synchronous>, transform_indices = @transform_3, window_bounds = array<i64: 1, 768>}, {transform_indices = @transform_4, window_bounds = array<i64: 2048, 768>}]} {
    %eq3A = arith.constant 0 : i32
    %eq3A_0 = arith.cmpi eq, %arg0, %eq3A : i32
    %convert_element_type3A = arith.extui %eq3A_0 : i1 to i32
    %cond3A = arith.constant 0 : i32
    %cond3A_1 = arith.cmpi ne, %convert_element_type3A, %cond3A : i32
    scf.if %cond3A_1 {
      %get3A_14 = arith.constant 0 : index
      %get3A_15 = arith.constant 0 : index
      %get3A_16 = arith.constant 0 : index
      %get3A_17 = vector.load %arg1[%get3A_14, %get3A_15, %get3A_16] : memref<12x512x64xf32, #tpu.memory_space<vmem>>, vector<1x512x64xf32>
      %get3A_18 = vector.shape_cast %get3A_17 : vector<1x512x64xf32> to vector<512x64xf32>
      %swap3A_19 = arith.constant 0 : index
      %swap3A_20 = arith.constant 0 : index
      %swap3A_21 = vector.load %arg6[%swap3A_19, %swap3A_20] : memref<512x768xf32, #tpu.memory_space<vmem>>, vector<512x64xf32>
      tpu.vector_store %arg6[%swap3A_19, %swap3A_20], %get3A_18 {strides = array<i32>} : memref<512x768xf32, #tpu.memory_space<vmem>>, vector<512x64xf32>,
      %get3A_22 = arith.constant 1 : index
      %get3A_23 = arith.constant 0 : index
      %get3A_24 = arith.constant 0 : index
      %get3A_25 = vector.load %arg1[%get3A_22, %get3A_23, %get3A_24] : memref<12x512x64xf32, #tpu.memory_space<vmem>>, vector<1x512x64xf32>
      %get3A_26 = vector.shape_cast %get3A_25 : vector<1x512x64xf32> to vector<512x64xf32>
      %swap3A_27 = arith.constant 0 : index
      %swap3A_28 = arith.constant 64 : index
      %swap3A_29 = vector.load %arg6[%swap3A_27, %swap3A_28] : memref<512x768xf32, #tpu.memory_space<vmem>>, vector<512x64xf32>
      tpu.vector_store %arg6[%swap3A_27, %swap3A_28], %get3A_26 {strides = array<i32>} : memref<512x768xf32, #tpu.memory_space<vmem>>, vector<512x64xf32>,
      %get3A_30 = arith.constant 2 : index
      %get3A_31 = arith.constant 0 : index
      %get3A_32 = arith.constant 0 : index
      %get3A_33 = vector.load %arg1[%get3A_30, %get3A_31, %get3A_32] : memref<12x512x64xf32, #tpu.memory_space<vmem>>, vector<1x512x64xf32>
      %get3A_34 = vector.shape_cast %get3A_33 : vector<1x512x64xf32> to vector<512x64xf32>
      %swap3A_35 = arith.constant 0 : index
      %swap3A_36 = arith.constant 128 : index
      %swap3A_37 = vector.load %arg6[%swap3A_35, %swap3A_36] : memref<512x768xf32, #tpu.memory_space<vmem>>, vector<512x64xf32>
      tpu.vector_store %arg6[%swap3A_35, %swap3A_36], %get3A_34 {strides = array<i32>} : memref<512x768xf32, #tpu.memory_space<vmem>>, vector<512x64xf32>,
      %get3A_38 = arith.constant 3 : index
      %get3A_39 = arith.constant 0 : index
      %get3A_40 = arith.constant 0 : index
      %get3A_41 = vector.load %arg1[%get3A_38, %get3A_39, %get3A_40] : memref<12x512x64xf32, #tpu.memory_space<vmem>>, vector<1x512x64xf32>
      %get3A_42 = vector.shape_cast %get3A_41 : vector<1x512x64xf32> to vector<512x64xf32>
      %swap3A_43 = arith.constant 0 : index
      %swap3A_44 = arith.constant 192 : index
      %swap3A_45 = vector.load %arg6[%swap3A_43, %swap3A_44] : memref<512x768xf32, #tpu.memory_space<vmem>>, vector<512x64xf32>
      tpu.vector_store %arg6[%swap3A_43, %swap3A_44], %get3A_42 {strides = array<i32>} : memref<512x768xf32, #tpu.memory_space<vmem>>, vector<512x64xf32>,
      %get3A_46 = arith.constant 4 : index
      %get3A_47 = arith.constant 0 : index
      %get3A_48 = arith.constant 0 : index
      %get3A_49 = vector.load %arg1[%get3A_46, %get3A_47, %get3A_48] : memref<12x512x64xf32, #tpu.memory_space<vmem>>, vector<1x512x64xf32>
      %get3A_50 = vector.shape_cast %get3A_49 : vector<1x512x64xf32> to vector<512x64xf32>
      %swap3A_51 = arith.constant 0 : index
      %swap3A_52 = arith.constant 256 : index
      %swap3A_53 = vector.load %arg6[%swap3A_51, %swap3A_52] : memref<512x768xf32, #tpu.memory_space<vmem>>, vector<512x64xf32>
      tpu.vector_store %arg6[%swap3A_51, %swap3A_52], %get3A_50 {strides = array<i32>} : memref<512x768xf32, #tpu.memory_space<vmem>>, vector<512x64xf32>,
      %get3A_54 = arith.constant 5 : index
      %get3A_55 = arith.constant 0 : index
      %get3A_56 = arith.constant 0 : index
      %get3A_57 = vector.load %arg1[%get3A_54, %get3A_55, %get3A_56] : memref<12x512x64xf32, #tpu.memory_space<vmem>>, vector<1x512x64xf32>
      %get3A_58 = vector.shape_cast %get3A_57 : vector<1x512x64xf32> to vector<512x64xf32>
      %swap3A_59 = arith.constant 0 : index
      %swap3A_60 = arith.constant 320 : index
      %swap3A_61 = vector.load %arg6[%swap3A_59, %swap3A_60] : memref<512x768xf32, #tpu.memory_space<vmem>>, vector<512x64xf32>
      tpu.vector_store %arg6[%swap3A_59, %swap3A_60], %get3A_58 {strides = array<i32>} : memref<512x768xf32, #tpu.memory_space<vmem>>, vector<512x64xf32>,
      %get3A_62 = arith.constant 6 : index
      %get3A_63 = arith.constant 0 : index
      %get3A_64 = arith.constant 0 : index
      %get3A_65 = vector.load %arg1[%get3A_62, %get3A_63, %get3A_64] : memref<12x512x64xf32, #tpu.memory_space<vmem>>, vector<1x512x64xf32>
      %get3A_66 = vector.shape_cast %get3A_65 : vector<1x512x64xf32> to vector<512x64xf32>
      %swap3A_67 = arith.constant 0 : index
      %swap3A_68 = arith.constant 384 : index
      %swap3A_69 = vector.load %arg6[%swap3A_67, %swap3A_68] : memref<512x768xf32, #tpu.memory_space<vmem>>, vector<512x64xf32>
      tpu.vector_store %arg6[%swap3A_67, %swap3A_68], %get3A_66 {strides = array<i32>} : memref<512x768xf32, #tpu.memory_space<vmem>>, vector<512x64xf32>,
      %get3A_70 = arith.constant 7 : index
      %get3A_71 = arith.constant 0 : index
      %get3A_72 = arith.constant 0 : index
      %get3A_73 = vector.load %arg1[%get3A_70, %get3A_71, %get3A_72] : memref<12x512x64xf32, #tpu.memory_space<vmem>>, vector<1x512x64xf32>
      %get3A_74 = vector.shape_cast %get3A_73 : vector<1x512x64xf32> to vector<512x64xf32>
      %swap3A_75 = arith.constant 0 : index
      %swap3A_76 = arith.constant 448 : index
      %swap3A_77 = vector.load %arg6[%swap3A_75, %swap3A_76] : memref<512x768xf32, #tpu.memory_space<vmem>>, vector<512x64xf32>
      tpu.vector_store %arg6[%swap3A_75, %swap3A_76], %get3A_74 {strides = array<i32>} : memref<512x768xf32, #tpu.memory_space<vmem>>, vector<512x64xf32>,
      %get3A_78 = arith.constant 8 : index
      %get3A_79 = arith.constant 0 : index
      %get3A_80 = arith.constant 0 : index
      %get3A_81 = vector.load %arg1[%get3A_78, %get3A_79, %get3A_80] : memref<12x512x64xf32, #tpu.memory_space<vmem>>, vector<1x512x64xf32>
      %get3A_82 = vector.shape_cast %get3A_81 : vector<1x512x64xf32> to vector<512x64xf32>
      %swap3A_83 = arith.constant 0 : index
      %swap3A_84 = arith.constant 512 : index
      %swap3A_85 = vector.load %arg6[%swap3A_83, %swap3A_84] : memref<512x768xf32, #tpu.memory_space<vmem>>, vector<512x64xf32>
      tpu.vector_store %arg6[%swap3A_83, %swap3A_84], %get3A_82 {strides = array<i32>} : memref<512x768xf32, #tpu.memory_space<vmem>>, vector<512x64xf32>,
      %get3A_86 = arith.constant 9 : index
      %get3A_87 = arith.constant 0 : index
      %get3A_88 = arith.constant 0 : index
      %get3A_89 = vector.load %arg1[%get3A_86, %get3A_87, %get3A_88] : memref<12x512x64xf32, #tpu.memory_space<vmem>>, vector<1x512x64xf32>
      %get3A_90 = vector.shape_cast %get3A_89 : vector<1x512x64xf32> to vector<512x64xf32>
      %swap3A_91 = arith.constant 0 : index
      %swap3A_92 = arith.constant 576 : index
      %swap3A_93 = vector.load %arg6[%swap3A_91, %swap3A_92] : memref<512x768xf32, #tpu.memory_space<vmem>>, vector<512x64xf32>
      tpu.vector_store %arg6[%swap3A_91, %swap3A_92], %get3A_90 {strides = array<i32>} : memref<512x768xf32, #tpu.memory_space<vmem>>, vector<512x64xf32>,
      %get3A_94 = arith.constant 10 : index
      %get3A_95 = arith.constant 0 : index
      %get3A_96 = arith.constant 0 : index
      %get3A_97 = vector.load %arg1[%get3A_94, %get3A_95, %get3A_96] : memref<12x512x64xf32, #tpu.memory_space<vmem>>, vector<1x512x64xf32>
      %get3A_98 = vector.shape_cast %get3A_97 : vector<1x512x64xf32> to vector<512x64xf32>
      %swap3A_99 = arith.constant 0 : index
      %swap3A_100 = arith.constant 640 : index
      %swap3A_101 = vector.load %arg6[%swap3A_99, %swap3A_100] : memref<512x768xf32, #tpu.memory_space<vmem>>, vector<512x64xf32>
      tpu.vector_store %arg6[%swap3A_99, %swap3A_100], %get3A_98 {strides = array<i32>} : memref<512x768xf32, #tpu.memory_space<vmem>>, vector<512x64xf32>,
      %get3A_102 = arith.constant 11 : index
      %get3A_103 = arith.constant 0 : index
      %get3A_104 = arith.constant 0 : index
      %get3A_105 = vector.load %arg1[%get3A_102, %get3A_103, %get3A_104] : memref<12x512x64xf32, #tpu.memory_space<vmem>>, vector<1x512x64xf32>
      %get3A_106 = vector.shape_cast %get3A_105 : vector<1x512x64xf32> to vector<512x64xf32>
      %swap3A_107 = arith.constant 0 : index
      %swap3A_108 = arith.constant 704 : index
      %swap3A_109 = vector.load %arg6[%swap3A_107, %swap3A_108] : memref<512x768xf32, #tpu.memory_space<vmem>>, vector<512x64xf32>
      tpu.vector_store %arg6[%swap3A_107, %swap3A_108], %get3A_106 {strides = array<i32>} : memref<512x768xf32, #tpu.memory_space<vmem>>, vector<512x64xf32>,
      %get3A_110 = arith.constant 0 : index
      %get3A_111 = arith.constant 0 : index
      %get3A_112 = vector.load %arg6[%get3A_110, %get3A_111] : memref<512x768xf32, #tpu.memory_space<vmem>>, vector<512x768xf32>
      %get3A_113 = arith.constant 0 : index
      %get3A_114 = arith.constant 0 : index
      %get3A_115 = vector.load %arg2[%get3A_113, %get3A_114] : memref<768x768xf32, #tpu.memory_space<vmem>>, vector<768x768xf32>
      %dot_general3A_116 = arith.constant dense<0.000000e+00> : vector<512x768xf32>
      %dot_general3A_117 = tpu.matmul %get3A_112, %get3A_115, %dot_general3A_116 {dimension_numbers = #tpu.dot_dimension_numbers<[1], [1], [0], [0], [0, 0, 1, 0], [], []>, transpose_lhs_hint = false} : vector<512x768xf32>, vector<768x768xf32>, vector<512x768xf32> -> vector<512x768xf32>
      %iota3A = tpu.iota {dimensions = array<i32: 0>} : vector<512x768xi32>
      %lt3A = arith.constant 506 : i32
      %lt3A_118 = vector.broadcast %lt3A : i32 to vector<512x768xi32>
      %lt3A_119 = arith.cmpi slt, %iota3A, %lt3A_118 : vector<512x768xi32>
      %jit3A = arith.constant 0.000000e+00 : f32
      %broadcast_in_dim3A = vector.broadcast %jit3A : f32 to vector<512x768xf32>
      %select_n3A = arith.select %lt3A_119, %dot_general3A_117, %broadcast_in_dim3A : vector<512x768xi1>, vector<512x768xf32>
      %convert_element_type3A_120 = arith.truncf %select_n3A : vector<512x768xf32> to vector<512x768xbf16>
      %swap3A_121 = arith.constant 0 : index
      %swap3A_122 = arith.constant 0 : index
      %swap3A_123 = vector.load %arg7[%swap3A_121, %swap3A_122] : memref<512x768xbf16, #tpu.memory_space<vmem>>, vector<512x768xbf16>
      tpu.vector_store %arg7[%swap3A_121, %swap3A_122], %convert_element_type3A_120 {strides = array<i32>} : memref<512x768xbf16, #tpu.memory_space<vmem>>, vector<512x768xbf16>,
    } else {
    }
    %get3A = arith.constant 0 : index
    %get3A_2 = arith.constant 0 : index
    %get3A_3 = vector.load %arg3[%get3A, %get3A_2] : memref<2048x512xbf16, #tpu.memory_space<vmem>>, vector<2048x512xbf16>
    %get3A_4 = arith.constant 0 : index
    %get3A_5 = arith.constant 0 : index
    %get3A_6 = vector.load %arg7[%get3A_4, %get3A_5] : memref<512x768xbf16, #tpu.memory_space<vmem>>, vector<512x768xbf16>
    %dot_general3A = arith.constant dense<0.000000e+00> : vector<2048x768xf32>
    %dot_general3A_7 = tpu.matmul %get3A_3, %get3A_6, %dot_general3A {dimension_numbers = #tpu.dot_dimension_numbers<[1], [0], [0], [1], [0, 0, 1, 1], [], []>, transpose_lhs_hint = false} : vector<2048x512xbf16>, vector<512x768xbf16>, vector<2048x768xf32> -> vector<2048x768xf32>
    %get3A_8 = arith.constant 0 : index
    %get3A_9 = arith.constant 0 : index
    %get3A_10 = vector.load %arg4[%get3A_8, %get3A_9] : memref<1x768xf32, #tpu.memory_space<vmem>>, vector<1x768xf32>
    %add3A = vector.broadcast %get3A_10 : vector<1x768xf32> to vector<2048x768xf32>
    %add3A_11 = arith.addf %dot_general3A_7, %add3A : vector<2048x768xf32>
    %swap3A = arith.constant 0 : index
    %swap3A_12 = arith.constant 0 : index
    %swap3A_13 = vector.load %arg5[%swap3A, %swap3A_12] : memref<2048x768xf32, #tpu.memory_space<vmem>>, vector<2048x768xf32>
    tpu.vector_store %arg5[%swap3A, %swap3A_12], %add3A_11 {strides = array<i32>} : memref<2048x768xf32, #tpu.memory_space<vmem>>, vector<2048x768xf32>,
    return
  }
  func.func @transform_0(%arg0: i32) -> (i32, i32, i32) {
    %c0_i32 = arith.constant 0 : i32
    %c0_i32_0 = arith.constant 0 : i32
    %c0_i32_1 = arith.constant 0 : i32
    %c0_i32_2 = arith.constant 0 : i32
    return %c0_i32, %c0_i32_0, %c0_i32_1 : i32, i32, i32
  }
  func.func @transform_1(%arg0: i32) -> (i32, i32) {
    %c0_i32 = arith.constant 0 : i32
    %c0_i32_0 = arith.constant 0 : i32
    %c0_i32_1 = arith.constant 0 : i32
    return %c0_i32, %c0_i32_0 : i32, i32
  }
  func.func @transform_2(%arg0: i32) -> (i32, i32) {
    %c0_i32 = arith.constant 0 : i32
    %c0_i32_0 = arith.constant 0 : i32
    return %arg0, %c0_i32 : i32, i32
  }
  func.func @transform_3(%arg0: i32) -> (i32, i32) {
    %c0_i32 = arith.constant 0 : i32
    %c0_i32_0 = arith.constant 0 : i32
    %c0_i32_1 = arith.constant 0 : i32
    return %c0_i32, %c0_i32_0 : i32, i32
  }
  func.func @transform_4(%arg0: i32) -> (i32, i32) {
    %c0_i32 = arith.constant 0 : i32
    %c0_i32_0 = arith.constant 0 : i32
    return %arg0, %c0_i32 : i32, i32
  }
}

</mosaic_0001>

<sc_bundles>
// kernel: kernel.6.cloned.1.call-start
scs
__scs_entry_jumppad:
0x0: {  	(pc) =	sbr.rel $0x88, $3  }
0x1: {  	(tag) =	ssettag $0x0;
	lr =	simm.s32 $0x1  }
0x2: {  	[smem:$0x3F98] =	sst lr;
	_ =	strace $0xD0000000  }
0x3: {  	_ = 	snop  }
0x4: {  	_ = 	snop  }
0x5: {  	_ = 	snop  }
0x6: {  	_ = 	snop  }
0x7: {  	_ = 	snop  }
__scs_overlays_trampoline_lowered:
0x8: {  	[smem:$0x3FA7] =	sst s0  }
0x9: {  	[smem:$0x3FA8] =	sst s1  }
0xa: {  	[smem:$0x3FA9] =	sst s2  }
0xb: {  	[smem:$0x3FAA] =	sst s3  }
0xc: {  	[smem:$0x3FAB] =	sst s4  }
0xd: {  	[smem:$0x3FAC] =	sst s5  }
0xe: {  	[smem:$0x3FAD] =	sst s6  }
0xf: {  	[smem:$0x3FAE] =	sst s7  }
0x10: {  	[smem:$0x3FAF] =	sst s8  }
0x11: {  	[smem:$0x3FB0] =	sst s9;
	s0 =	simm.s32 @!p0 $0x0  }
0x12: {  	s1 =	sld [smem:$0x3F96];
	s0 =	simm.s32 @p0 $0x1  }
0x13: {  	[smem:$0x3FB1] =	sst s0;
	s0 =	simm.s32 @!p1 $0x0  }
0x14: {  	s2 =	sld [smem:$0x3F95];
	s0 =	simm.s32 @p1 $0x1  }
0x15: {  	[smem:$0x3FB2] =	sst s0;
	s0 =	simm.s32 @!p2 $0x0  }
0x16: {  	s3 =	sld [smem:$0x3FDB];
	s0 =	simm.s32 @p2 $0x1  }
0x17: {  	s4 =	simm.s32 $0x1BF5;
	[smem:$0x3FB4] =	sst s0  }
0x18: {  	s0 =	sld [smem:$0x3F97];
	_ =	swait.ge [sflag:s4], $0x0  }
0x19: {  	s7 =	sld [smem:$0x3F98]  }
0x1a: {  	s8 =	sadd.s32 $0xFFFFE003, lr  }
0x1b: {  	s9 =	sadd.s32 $0xFFFFFEF7, lr;
	s5 =	simm.s32 $0xFFFFFFFF;
	p2 =	slt.u32 s8, $0xFFFFF086  }
0x1c: {  	p1 =	slt.u32 s9, $0xF7A;
	s5 =	simm.s32 @!p2 $0x0  }
0x1d: {  	s5 =	simm.s32 @p1 $0x1;
	p0 =	seq.s32 s7, s2  }
0x1e: {  	s7 =	smul.u32 @!p0 $0xF7A, s2;
	p2 =	seq.s32 @!p0 s5, $0x0  }
0x1f: {  	s9 =	smul.u32 $0xF7A, s1;
	s8 =	simm.s32 @!p0 $0x1BF5;
	p2 =	por !p2, p0  }
0x20: {  	[sflag:s8] =	ssyncset.s32 @!p0 $0xFFFFF086;
	s6 =	sadd.s32 @!p0 s3, s7;
	s7 =	simm.s32 @!p0 $0x108  }
0x21: {  	s3 =	sadd.s32 s3, s9;
	s6 =	sadd.s32 @!p0 $0x88, s6;
	s7 =	simm.s32 @p2 $0x1082  }
0x22: {  	[simem:s7], [sflag:s8] =	dma.local @!p0 [hbm:s6], $0xF7A  }
0x23: {  	s9 =	sor.u32 $0xD0000000, s2;
	s6 =	simm.s32 $0x108;
	_ =	swait.ge @!p0 [sflag:s8], $0x0  }
0x24: {  	s3 =	sadd.s32 $0x88, s3;
	s6 =	simm.s32 @!p1 $0x1082;
	[sflag:s4] =	ssyncset.s32 $0xFFFFF086  }
0x25: {  	[simem:s6], [sflag:s4] =	dma.local [hbm:s3], $0xF7A  }
0x26: {  	[smem:$0x3F98] =	sst s1;
	(tag) =	ssettag s2;
	_ =	strace s9  }
0x27: {  	s1 =	sld [smem:$0x3FA8]  }
0x28: {  	s2 =	sld [smem:$0x3FA9]  }
0x29: {  	s4 =	sld [smem:$0x3FAB]  }
0x2a: {  	p0 =	seq.s32 s5, $0x0;
	s5 =	sld [smem:$0x3FAC]  }
0x2b: {  	s6 =	sld [smem:$0x3FAD]  }
0x2c: {  	s7 =	sld [smem:$0x3FAE]  }
0x2d: {  	s3 =	simm.s32 $0x108;
	s8 =	sld [smem:$0x3FAF]  }
0x2e: {  	s3 =	simm.s32 @!p0 $0x1082;
	s9 =	sld [smem:$0x3FB0]  }
0x2f: {  	lr =	sadd.s32 s0, s3;
	s0 =	sld [smem:$0x3FA7]  }
0x30: {  	s3 =	sld [smem:$0x3FAA]  }
0x31: {  	[smem:$0x3FB3] =	sst s10  }
0x32: {  	s10 =	sld [smem:$0x3FB1];
	_ =	sdelay $0x3  }
0x33: {  	p0 =	seq.s32 s10, $0x1;
	s10 =	sld [smem:$0x3FB3];
	_ =	sdelay $0x3  }
0x34: {  	[smem:$0x3FB3] =	sst s10  }
0x35: {  	s10 =	sld [smem:$0x3FB2];
	_ =	sdelay $0x3  }
0x36: {  	p1 =	seq.s32 s10, $0x1;
	s10 =	sld [smem:$0x3FB3];
	_ =	sdelay $0x3  }
0x37: {  	[smem:$0x3FB3] =	sst s10  }
0x38: {  	s10 =	sld [smem:$0x3FB4]  }
0x39: {  	_ = 	snop;
	(pc) =	sbr.ind lr, $3  }
0x3a: {  	_ = 	snop  }
0x3b: {  	_ = 	snop  }
0x3c: {  	p2 =	seq.s32 s10, $0x1;
	s10 =	sld [smem:$0x3FB3]  }
0x3d: {  	_ =	shalt  }
0x3e: {  	_ =	shalt  }
0x3f: {  	_ =	shalt  }
0x40: {  	_ =	shalt  }
0x41: {  	_ =	shalt  }
0x42: {  	_ =	shalt  }
0x43: {  	_ =	shalt  }
0x44: {  	_ =	shalt  }
0x45: {  	_ =	shalt  }
0x46: {  	_ =	shalt  }
0x47: {  	_ =	shalt  }
0x48: {  	_ =	shalt  }
0x49: {  	_ =	shalt  }
0x4a: {  	_ =	shalt  }
0x4b: {  	_ =	shalt  }
0x4c: {  	_ =	shalt  }
0x4d: {  	_ =	shalt  }
0x4e: {  	_ =	shalt  }
0x4f: {  	_ =	shalt  }
0x50: {  	_ =	shalt  }
0x51: {  	_ =	shalt  }
0x52: {  	_ =	shalt  }
0x53: {  	_ =	shalt  }
0x54: {  	_ =	shalt  }
0x55: {  	_ =	shalt  }
0x56: {  	_ =	shalt  }
0x57: {  	_ =	shalt  }
0x58: {  	_ =	shalt  }
0x59: {  	_ =	shalt  }
0x5a: {  	_ =	shalt  }
0x5b: {  	_ =	shalt  }
0x5c: {  	_ =	shalt  }
0x5d: {  	_ =	shalt  }
0x5e: {  	_ =	shalt  }
0x5f: {  	_ =	shalt  }
0x60: {  	_ =	shalt  }
0x61: {  	_ =	shalt  }
0x62: {  	_ =	shalt  }
0x63: {  	_ =	shalt  }
0x64: {  	_ =	shalt  }
0x65: {  	_ =	shalt  }
0x66: {  	_ =	shalt  }
0x67: {  	_ =	shalt  }
0x68: {  	_ =	shalt  }
0x69: {  	_ =	shalt  }
0x6a: {  	_ =	shalt  }
0x6b: {  	_ =	shalt  }
0x6c: {  	_ =	shalt  }
0x6d: {  	_ =	shalt  }
0x6e: {  	_ =	shalt  }
0x6f: {  	_ =	shalt  }
0x70: {  	_ =	shalt  }
0x71: {  	_ =	shalt  }
0x72: {  	_ =	shalt  }
0x73: {  	_ =	shalt  }
0x74: {  	_ =	shalt  }
0x75: {  	_ =	shalt  }
0x76: {  	_ =	shalt  }
0x77: {  	_ =	shalt  }
0x78: {  	_ =	shalt  }
0x79: {  	_ =	shalt  }
0x7a: {  	_ =	shalt  }
0x7b: {  	_ =	shalt  }
0x7c: {  	_ =	shalt  }
0x7d: {  	_ =	shalt  }
0x7e: {  	_ =	shalt  }
0x7f: {  	_ =	shalt  }
0x80: {  	_ =	shalt  }
0x81: {  	_ =	shalt  }
0x82: {  	_ =	shalt  }
0x83: {  	_ =	shalt  }
0x84: {  	_ =	shalt  }
0x85: {  	_ =	shalt  }
0x86: {  	_ =	shalt  }
0x87: {  	_ =	shalt  }
.Lfunc_end0:
.L_simem_size_0:
called_computation_lowered:
.L_overlay_start_0:
0x88: {  	s2 =	sld [smem:$0x3FD9]  }
0x89: {  	s3 =	sld [smem:$0x3FFE];
	_ =	sdelay $0x1  }
0x8a: {  	s1 =	srdreg.scid  }
0x8b: {  	s0 =	sand.u32 $0x1, s1  }
0x8c: {  	s14 =	sshll.u32 s0, $0xA;
	s2 =	sadd.s32 s3, s2  }
0x8d: {  	s2 =	sadd.s32 s2, s14  }
0x8e: {  	[smem:$0x3FBF] =	sst s2  }
0x8f: {  	_ = 	snop  }
0x90: {  	s2 =	sld [smem:$0x3FD0];
	_ =	sdelay $0x2  }
0x91: {  	s4 =	simm.s32 $0xA;
	s5 =	simm.s32 $0x10;
	s15 =	sld [smem:$0x3FC9]  }
0x92: {  	[smem:s5], [sflag:s4] =	dma.local [hbm:s2], $0x1  }
0x93: {  	_ =	swait.eq [sflag:s4], $0x1  }
0x94: {  	[sflag:s4] =	ssyncset.done $0x0  }
0x95: {  	[sflag:s4] =	ssyncadd.s32 $0xFFFFFFFF  }
0x96: {  	s16 =	sld [smem:$0x11];
	(tm) =	ssettm $0x1  }
0x97: {  	s17 =	sld [smem:$0x3FFB];
	_ =	sdelay $0x3  }
0x98: {  	_ =	strace s17  }
0x99: {  	s4 =	sld [smem:$0x3FFC];
	_ =	sdelay $0x3  }
0x9a: {  	_ =	strace s4  }
0x9b: {  	s4 =	sld [smem:$0x3FFD];
	_ =	sdelay $0x3  }
0x9c: {  	_ =	strace s4  }
0x9d: {  	_ =	strace $0x8FFFFFFF  }
0x9e: {  	s18 =	sld [smem:$0x3FDB];
	_ =	sdelay $0x1  }
0x9f: {  	s19 =	simm.s32 $_scs_section_size  }
0xa0: {  	s6 =	simm.s32 $_size__tile_overlayer_lowered;
	s7 =	simm.s32 $_tile_overlayer_lowered  }
0xa1: {  	s22 =	simm.s32 $0x1BFF;
	s21 =	sshll.u32 s7, $0x1;
	s4 =	sadd.s32 s19, s18  }
0xa2: {  	s8 =	simm.s32 $0x0;
	s20 =	sshll.u32 s6, $0x1;
	s6 =	sadd.s32 s21, s4  }
0xa3: {  	[timem:s8], [sflag:s22] =	dma.local [hbm:s6], s20  }
0xa4: {  	_ =	swait.ge [sflag:s22], s20  }
0xa5: {  	s5 =	ssub.s32 $0x0, s20;
	[sflag:s22] =	ssyncset.done $0x0  }
0xa6: {  	[sflag:s22] =	ssyncadd.s32 s5;
	_ =	sdelay $0x1  }
0xa7: {  	s23 =	simm.s32 $0x1B8B  }
0xa8: {  	_ =	swait.ge [sflag:s23], $0x1  }
0xa9: {  	[sflag:s23] =	ssyncset.done $0x0  }
0xaa: {  	s25 =	simm.s32 $0x1B8E;
	s24 =	sld [smem:$0x3FFE];
	[sflag:s23] =	ssyncadd.s32 $0xFFFFFFFF  }
0xab: {  	s26 =	simm.s32 $execute0_lowered;
	[smem:$0x3FD2] =	sst s25  }
0xac: {  	s6 =	sshll.u32 s26, $0x1;
	_ =	strace $0x80000046;
	[dreg:$0x1] =	wrdreg $0xFFFFFFFF  }
0xad: {  	s28 =	simm.s32 $_size_execute0_lowered;
	s4 =	sadd.s32 s4, s6;
	[dreg:$0x0] =	wrdreg $0x0  }
0xae: {  	s6 =	sshll.u32 s28, $0x1;
	[dreg:$0x2] =	wrdreg s4  }
0xaf: {  	[dreg:$0x3] =	wrdreg s6  }
0xb0: {  	[dreg:$0x4] =	wrdreg $0xC0  }
0xb1: {  	_ =	task [dreg:s8], $0x5FFFF  }
0xb2: {  	[dreg:$0x1] =	wrdreg $0xFFFFFFFF  }
0xb3: {  	[dreg:$0x0] =	wrdreg $0x60  }
0xb4: {  	[dreg:$0x2] =	wrdreg s15  }
0xb5: {  	[dreg:$0x3] =	wrdreg s16  }
0xb6: {  	[dreg:$0x4] =	wrdreg s24  }
0xb7: {  	[dreg:$0x5] =	wrdreg $0x9  }
0xb8: {  	_ =	task.clear_ibuf [dreg:s8], $0x6FFFF;
	_ =	strace $0x90000046  }
0xb9: {  	s29 =	simm.s32 $0x9;
	_ =	strace $0x80000048  }
0xba: {  	_ =	swait.ge [sflag:s29], $0x1  }
0xbb: {  	[sflag:s29] =	ssyncadd.s32 $0xFFFFFFFF  }
0xbc: {  	_ =	strace $0x90000048  }
0xbd: {  	_ =	sfence  }
0xbe: {  	s30 =	sld [smem:$0x0];
	_ =	sdelay $0x2  }
0xbf: {  	s31 =	sshll.u32 s1, $0xD;
	s1 =	sshrl.u32 s1, $0x2  }
0xc0: {  	s3 =	sand.u32 $0x4000, s31;
	s1 =	sadd.s32 s1, s30  }
0xc1: {  	s0 =	sor.u32 s3, s0;
	s1 =	sshll.u32 s1, $0x11  }
0xc2: {  	s0 =	sor.u32 s1, s0  }
0xc3: {  	s0 =	sadd.s32 $0x8F2B, s0  }
0xc4: {  	[sflag:s0] =	ssyncadd.remote.s32 $0x1  }
0xc5: {  	_ =	sfence.sel $0xFFFF  }
0xc6: {  	[dreg:$0x0] =	wrdreg $0xFFFFFFFF;
	(pc) =	sbr.abs _section_cstart, $3  }
0xc7: {  	[dreg:$0x1] =	wrdreg $0xFFFFFFFF  }
0xc8: {  	_ =	task.clear_ibuf [dreg:s8], $0x2FFFF;
	_ =	strace $0x9FFFFFFF  }
0xc9: {  	(tm) =	ssettm $0x7FFFFFFF  }
tec
execute0_lowered:
.L_overlay_start_1:
0x0: {  	(tag) =	ssettag $0x1  }
0x1: {  	s2 =	rddreg [dreg:$0x0]  }
0x2: {  	s4 =	rddreg [dreg:$0x1]  }
0x3: {  	s15 =	rddreg [dreg:$0x2];
	s3 =	srdreg.scid  }
0x4: {  	s0 =	rddreg [dreg:$0x3];
	s1 =	stileid.u32;
	s13 =	sand.u32 $0x1, s3  }
0x5: {  	s3 =	simm.s32 $0x0;
	s5 =	sshll.u32 s1, $0x2;
	s6 =	sshll.u32 s13, $0x1  }
0x6: {  	[smem:$0x7FF] =	sst s3;
	s12 =	sor.u32 s6, s5  }
0x7: {  	_ =	strace $0x80000047;
	s5 =	sadd.s32 s4, s12;
	s4 =	simm.s32 $0x2  }
0x8: {  	[tilespmem:s3], [sflag:$0x2] =	stream.linear.gather [hbm4b:s5+s3], $0x10, $0x38;
	[tilespmem:$0x3080] =	vst v63  }
0x9: {  	_ =	swait.ge [sflag:s4], $0x10  }
0xa: {  	[sflag:s4] =	ssyncset.done $0x0  }
0xb: {  	[sflag:s4] =	ssyncadd.s32 $0xFFFFFFF0  }
0xc: {  	v0 =	vld [tilespmem:$0x0];
	_ =	sdelay $0x4  }
0xd: {  	v1 =	vshrl.u32 v0, $0x3  }
0xe: {  	v1 =	vmul.u32 $0x30, v1  }
0xf: {  	v2 =	vlaneseq.u32;
	v3 =	vand.u32 $0x7, v0  }
0x10: {  	v4 =	vshrl.u32 v2, $0x3;
	v0 =	vand.u32 $0x7, v2;
	v3 =	vor.u32 v3, v1  }
0x11: {  	v1 =	vmul.u32 $0x8, v4;
	v63 =	vperm.xlane v3, v0;
	_ =	sdelay $0x1  }
0x12: {  	v4 =	vadd.s32 v1, v63;
	_ =	sdelay $0x2  }
0x13: {  	v2 =	vor.u32 $0x8, v2  }
0x14: {  	vm0 =	vmmov $0xffff;
	s6 =	simm.s32 $0x80;
	v3 =	vperm.xlane v3, v2  }
0x15: {  	[tilespmem:s6], [sflag:$0x1] =	stream.indirect_vreg.gather [hbm4b:s2+s3], $0x80, v4, vm0, $0xb8;
	[tilespmem:$0x3080] =	vst v63  }
0x16: {  	s8 =	simm.s32 $0x880;
	s7 =	sadd.s32 $0x100, s2;
	v3 =	vadd.s32 v1, v3  }
0x17: {  	[tilespmem:s8], [sflag:$0x1] =	stream.indirect_vreg.gather [hbm4b:s7+s3], $0x80, v4, vm0, $0xb8;
	[tilespmem:$0x3080] =	vst v63  }
0x18: {  	s10 =	simm.s32 $0x1080;
	s9 =	sadd.s32 $0x200, s2;
	s17 =	ssub.s32 $0x2, s13  }
0x19: {  	[tilespmem:s10], [sflag:$0x1] =	stream.indirect_vreg.gather [hbm4b:s9+s3], $0x80, v4, vm0, $0xb8;
	[tilespmem:$0x3080] =	vst v63  }
0x1a: {  	s11 =	simm.s32 $0x1880;
	s14 =	simm.s32 $0x1;
	s18 =	sshrl.u32 s17, $0x1  }
0x1b: {  	[tilespmem:s11], [sflag:$0x1] =	stream.indirect_vreg.gather [hbm4b:s2+s3], $0x80, v3, vm0, $0xb8;
	[tilespmem:$0x3080] =	vst v63  }
0x1c: {  	s16 =	smul.u32 $0x300, s12;
	s12 =	simm.s32 $0x2080;
	s31 =	ssub.s32 s17, s18  }
0x1d: {  	[tilespmem:s12], [sflag:$0x1] =	stream.indirect_vreg.gather [hbm4b:s7+s3], $0x80, v3, vm0, $0xb8;
	[tilespmem:$0x3080] =	vst v63  }
0x1e: {  	s13 =	simm.s32 $0x2880;
	s15 =	sadd.s32 s16, s15;
	s16 =	smax.u32 s31, $0x1  }
0x1f: {  	[tilespmem:s13], [sflag:$0x1] =	stream.indirect_vreg.gather [hbm4b:s9+s3], $0x80, v3, vm0, $0xb8;
	[tilespmem:$0x3080] =	vst v63  }
0x20: {  	p0 =	sne.s32 s16, $0x1;
	_ =	swait.ge [sflag:s14], $0x3000  }
.Ltmp0:
0x21: {  	[sflag:s14] =	ssyncset.done $0x0;
	(pc) =	sbr.rel @!p0 .LBB2_2-.Ltmp0, $4  }
0x22: {  	s15 =	sadd.s32 $0x2000, s15;
	[sflag:s14] =	ssyncadd.s32 $0xFFFFD000  }
0x23: {  	[hbm4b:s15+s3] =	stream.linear.scatter [tilespmem:s6], [sflag:$0x2], $0x3000, $0x38;
	[tilespmem:$0x3080] =	vst v63  }
0x24: {  	_ =	swait.ge [sflag:s4], $0x3000  }
0x25: {  	s16 =	sadd.s32 $0xFFFFFFFF, s16;
	[sflag:s4] =	ssyncset.done $0x0  }
.LBB2_1:
0x26: {  	p0 =	sne.s32 s16, $0x1;
	s16 =	sadd.s32 $0xFFFFFFFF, s16;
	[sflag:s4] =	ssyncadd.s32 $0xFFFFD000  }
0x27: {  	[tilespmem:s3], [sflag:$0x2] =	stream.linear.gather [hbm4b:s5+s3], $0x10, $0x38;
	[tilespmem:$0x3080] =	vst v63  }
0x28: {  	_ =	swait.ge [sflag:s4], $0x10  }
0x29: {  	[sflag:s4] =	ssyncset.done $0x0  }
0x2a: {  	[sflag:s4] =	ssyncadd.s32 $0xFFFFFFF0  }
0x2b: {  	v3 =	vld [tilespmem:$0x0];
	_ =	sdelay $0x4  }
0x2c: {  	v4 =	vshrl.u32 v3, $0x3  }
0x2d: {  	v4 =	vmul.u32 $0x30, v4  }
0x2e: {  	v3 =	vand.u32 $0x7, v3  }
0x2f: {  	v3 =	vor.u32 v3, v4  }
0x30: {  	v4 =	vperm.xlane v3, v0;
	v3 =	vperm.xlane v3, v2;
	_ =	sdelay $0x1  }
0x31: {  	v4 =	vadd.s32 v1, v4;
	_ =	sdelay $0x4  }
0x32: {  	[tilespmem:s6], [sflag:$0x1] =	stream.indirect_vreg.gather [hbm4b:s2+s3], $0x80, v4, vm0, $0xb8;
	[tilespmem:$0x3080] =	vst v63  }
0x33: {  	v3 =	vadd.s32 v1, v3  }
0x34: {  	[tilespmem:s8], [sflag:$0x1] =	stream.indirect_vreg.gather [hbm4b:s7+s3], $0x80, v4, vm0, $0xb8;
	[tilespmem:$0x3080] =	vst v63  }
0x35: {  	_ = 	snop  }
0x36: {  	[tilespmem:s10], [sflag:$0x1] =	stream.indirect_vreg.gather [hbm4b:s9+s3], $0x80, v4, vm0, $0xb8;
	[tilespmem:$0x3080] =	vst v63  }
0x37: {  	_ = 	snop  }
0x38: {  	[tilespmem:s11], [sflag:$0x1] =	stream.indirect_vreg.gather [hbm4b:s2+s3], $0x80, v3, vm0, $0xb8;
	[tilespmem:$0x3080] =	vst v63  }
0x39: {  	_ = 	snop  }
0x3a: {  	[tilespmem:s12], [sflag:$0x1] =	stream.indirect_vreg.gather [hbm4b:s7+s3], $0x80, v3, vm0, $0xb8;
	[tilespmem:$0x3080] =	vst v63  }
0x3b: {  	_ = 	snop  }
0x3c: {  	[tilespmem:s13], [sflag:$0x1] =	stream.indirect_vreg.gather [hbm4b:s9+s3], $0x80, v3, vm0, $0xb8;
	[tilespmem:$0x3080] =	vst v63  }
0x3d: {  	_ =	swait.ge [sflag:s14], $0x3000  }
.Ltmp1:
0x3e: {  	[sflag:s14] =	ssyncset.done $0x0;
	(pc) =	sbr.rel @p0 .LBB2_1-.Ltmp1, $4  }
0x3f: {  	[sflag:s14] =	ssyncadd.s32 $0xFFFFD000  }
0x40: {  	[hbm4b:s15+s3] =	stream.linear.scatter [tilespmem:s6], [sflag:$0x2], $0x3000, $0x38;
	[tilespmem:$0x3080] =	vst v63  }
0x41: {  	_ =	swait.ge [sflag:s4], $0x3000  }
0x42: {  	[sflag:s4] =	ssyncset.done $0x0  }
.LBB2_2:
0x43: {  	[sflag:s4] =	ssyncadd.s32 $0xFFFFD000  }
0x44: {  	_ =	sfence.sel $0x180000  }
0x45: {  	[bflag:$0x0] =	sbarrier.arrive $0xFFFF  }
0x46: {  	p0 =	sne.s32 s1, $0x0;
	_ =	strace $0x90000047  }
0x47: {  	s0 =	sadd.s32 @!p0 $0x100000, s0;
	[bflag:$0x2] =	sbarrier.arrive $0xFFFF  }
0x48: {  	[sflag:s0] =	ssyncadd.tile.s32 @!p0 $0x1;
	_ =	shalt  }
.Lfunc_end2:
_tile_overlayer_lowered:
.L_overlay_start_2:
0x49: {  	(tag) =	ssettag $0x2  }
0x4a: {  	s0 =	rddreg [dreg:$0x0];
	s2 =	stileid.u32  }
0x4b: {  	s1 =	rddreg [dreg:$0x1];
	p0 =	sne.s32 s2, $0x0  }
0x4c: {  	s3 =	rddreg [dreg:$0x2];
	[bflag:$0x3] =	sbarrier.arrive $0xFFFF;
	s2 =	simm.s32 @!p0 $0x1C02  }
0x4d: {  	[timem:s3], [sflag:s2] =	dma.local @!p0 [hbm:s0], s1  }
0x4e: {  	s0 =	simm.s32 @!p0 $0x2  }
0x4f: {  	_ =	swait.ge @!p0 [sflag:s0], s1  }
0x50: {  	s1 =	ssub.s32 @!p0 $0x0, s1;
	[sflag:s0] =	ssyncset.done @!p0 $0x0  }
0x51: {  	[sflag:s0] =	ssyncadd.s32 @!p0 s1  }
0x52: {  	[bflag:$0x3] =	sbarrier.arrive $0xFFFF  }
0x53: {  	_ =	shalt  }

</sc_bundles>
